<compile_context>
chip_gen: v7x
topology: tpu7x:2x2x1
jax: 0.10.2.dev20260603
libtpu: 0.0.44.dev20260713+nightly
codegen_flags: <defaults>
</compile_context>

<pallas_src>
import functools

import jax
import jax.numpy as jnp
from jax import lax
from jax.experimental import pallas as pl
from jax.experimental.pallas import tpu as pltpu, tpu_sc as plsc

VOCAB = 100000
D = 128
PAD = 0
CH = 128

_info = plsc.get_sparse_core_info()
_NC, _NS, _L = _info.num_cores, _info.num_subcores, _info.num_lanes
_NW = _NC * _NS


@functools.partial(jax.jit, static_argnames=("bsz", "seqlen"))
def _lookup(tok_flat, table, *, bsz, seqlen):
    B = bsz * seqlen
    bpw = B // _NW
    nch = bpw // CH
    mesh = plsc.VectorSubcoreMesh(core_axis_name="c", subcore_axis_name="s")

    @functools.partial(
        pl.kernel,
        out_type=jax.ShapeDtypeStruct((B, D), jnp.float32),
        mesh=mesh,
        compiler_params=pltpu.CompilerParams(needs_layout_passes=False),
        scratch_types=[
            pltpu.VMEM((bpw + 8,), jnp.int32),
            pltpu.VMEM((bpw,), jnp.int32),
            pltpu.VMEM((nch, CH, D), jnp.float32),
            [pltpu.SemaphoreType.DMA] * nch,
            pltpu.SemaphoreType.DMA,
        ],
    )
    def body(tok_hbm, table_hbm, out_hbm, tok_v, idx_v, rows_v, gsems, ssem):
        wid = lax.axis_index("s") * _NC + lax.axis_index("c")
        base = wid * bpw
        safe = pl.multiple_of(jnp.maximum(base - 8, 0), 8)
        pltpu.sync_copy(tok_hbm.at[pl.ds(safe, bpw + 8)], tok_v)
        off = base - 1 - safe
        row_start = (base % seqlen) == 0
        lane = lax.iota(jnp.int32, _L)

        g = [None] * nch
        for c in range(nch):
            for j in range(c * (CH // _L), (c + 1) * (CH // _L)):
                gi = jnp.maximum(off + j * _L + lane, 0)
                v = plsc.load_gather(tok_v, [gi])
                if j == 0:
                    v = jnp.where(jnp.logical_and(row_start, lane == 0), PAD, v)
                idx_v[pl.ds(j * _L, _L)] = v
            g[c] = pltpu.async_copy(
                table_hbm.at[idx_v.at[pl.ds(c * CH, CH)]], rows_v.at[c], gsems[c])

        s = [None] * nch
        for c in range(nch):
            g[c].wait()
            s[c] = pltpu.async_copy(
                rows_v.at[c], out_hbm.at[pl.ds(base + c * CH, CH)], ssem)
        for c in range(nch):
            s[c].wait()

    return body(tok_flat, table)


def kernel(token_ids, embed_table):
    bsz, seqlen = token_ids.shape
    tok_flat = token_ids.reshape(-1).astype(jnp.int32)
    out = _lookup(tok_flat, embed_table, bsz=bsz, seqlen=seqlen)
    return out.reshape(bsz, seqlen, D)

# --- scband reference (transcript-rebuilt; emitter-appended) ---
"""Pipeline reference for scband-ro-samemory-stub-69123203661999 (READ-ONLY COPY).

The authoritative reference and input builder live on the scoring server;
editing this copy changes nothing except your own understanding.
"""

import jax, jax.numpy as jnp
import numpy as np

VOCAB_SIZE = 100000
D_MODEL = 128
PAD_TOKEN_ID = 0


def setup_inputs(seed: int = 0) -> dict:
    key = jax.random.key(seed)
    k1, k2 = jax.random.split(key)
    token_ids = jax.random.randint(k1, (4, 2048), 0, VOCAB_SIZE, dtype=jnp.int64 if jax.config.jax_enable_x64 else jnp.int32)
    embed_table = jax.random.normal(k2, (VOCAB_SIZE, D_MODEL), dtype=jnp.float32)
    return {"token_ids": token_ids, "embed_table": embed_table}


def reference(token_ids, embed_table):
    bsz, seqlen = token_ids.shape
    pad = jnp.full((bsz, 1), PAD_TOKEN_ID, dtype=token_ids.dtype)
    prev = jnp.concatenate([pad, token_ids[:, :-1]], axis=1)
    out = jnp.take(embed_table, prev, axis=0)
    return out

if __name__ == "__main__":
    import jax
    _d = setup_inputs()
    print(jax.jit(kernel)(*tuple(_d.values())))

</pallas_src>

<mosaic_0001>
#map = affine_map<(d0, d1) -> (0)>
#map1 = affine_map<(d0, d1) -> (0, 0)>
module attributes {stable_mosaic.version = 14 : i64} {
  func.func @body(%arg0: i32, %arg1: i32, %arg2: memref<8192xi32, #tpu.memory_space<hbm>>, %arg3: memref<100000x128xf32, #tpu.memory_space<hbm>>, %arg4: memref<8192x128xf32, #tpu.memory_space<hbm>>, %arg5: memref<264xi32, #tpu.memory_space<vmem>>, %arg6: memref<256xi32, #tpu.memory_space<vmem>>, %arg7: memref<2x128x128xf32, #tpu.memory_space<vmem>>, %arg8: memref<!tpu.dma_semaphore, #tpu.memory_space<semaphore_mem>>, %arg9: memref<!tpu.dma_semaphore, #tpu.memory_space<semaphore_mem>>, %arg10: memref<!tpu.dma_semaphore, #tpu.memory_space<semaphore_mem>>) attributes {dimension_semantics = [#tpu.dimension_semantics<core_parallel>, #tpu.dimension_semantics<subcore_parallel>], iteration_bounds = array<i64: 2, 16>, scalar_prefetch = 0 : i64, scratch_operands = 6 : i64, tpu.core_type = #tpu.core_type<sc_vector_subcore>, window_params = [{transform_indices = #map}, {transform_indices = #map1}, {transform_indices = #map1}]} {
    %mul3A = arith.constant 2 : i32
    %mul3A_0 = arith.muli %arg1, %mul3A : i32
    %add3A = arith.addi %mul3A_0, %arg0 : i32
    %mul3A_1 = arith.constant 256 : i32
    %mul3A_2 = arith.muli %add3A, %mul3A_1 : i32
    %sub3A = arith.constant 8 : i32
    %sub3A_3 = arith.subi %mul3A_2, %sub3A : i32
    %max3A = arith.constant 0 : i32
    %max3A_4 = arith.maxsi %sub3A_3, %max3A : i32
    %multiple_of3A = tpu.assume_multiple %max3A_4, 8 : i32
    "tpu.region"() ({
      %run_scoped3A = tpu.sem_alloc : memref<!tpu.dma_semaphore, #tpu.memory_space<semaphore_mem>>
      %dma_start3A_278 = tpu.memref_slice %arg2[%multiple_of3A] : memref<8192xi32, #tpu.memory_space<hbm>> -> memref<264xi32, #tpu.memory_space<hbm>>
      %dma_start3A_279 = tpu.memref_slice %arg2[%multiple_of3A] : memref<8192xi32, #tpu.memory_space<hbm>> -> memref<264xi32, #tpu.memory_space<hbm>>
      tpu.enqueue_dma source(%dma_start3A_279 : memref<264xi32, #tpu.memory_space<hbm>>) target(%arg5 : memref<264xi32, #tpu.memory_space<vmem>>) target_semaphore(%run_scoped3A : memref<!tpu.dma_semaphore, #tpu.memory_space<semaphore_mem>>)
      %dma_wait3A_280 = tpu.memref_slice %arg2[%multiple_of3A] : memref<8192xi32, #tpu.memory_space<hbm>> -> memref<264xi32, #tpu.memory_space<hbm>>
      %dma_wait3A_281 = tpu.memref_slice %arg2[%multiple_of3A] : memref<8192xi32, #tpu.memory_space<hbm>> -> memref<264xi32, #tpu.memory_space<hbm>>
      tpu.wait_dma2 semaphore(%run_scoped3A : memref<!tpu.dma_semaphore, #tpu.memory_space<semaphore_mem>>) src(%dma_wait3A_281 : memref<264xi32, #tpu.memory_space<hbm>>) dst(%arg5 : memref<264xi32, #tpu.memory_space<vmem>>)
      tpu.yield
    }) : () -> ()
    %sub3A_5 = arith.constant 1 : i32
    %sub3A_6 = arith.subi %mul3A_2, %sub3A_5 : i32
    %sub3A_7 = arith.subi %sub3A_6, %multiple_of3A : i32
    %jit3A = arith.constant 2048 : i32
    %eq3A = arith.constant 0 : i32
    %eq3A_8 = arith.cmpi eq, %jit3A, %eq3A : i32
    %jit3A_9 = arith.constant 1 : i32
    %select_n3A = arith.select %eq3A_8, %jit3A_9, %jit3A : i32
    %rem3A = arith.remsi %mul3A_2, %select_n3A : i32
    %ne3A = arith.constant 0 : i32
    %ne3A_10 = arith.cmpi ne, %rem3A, %ne3A : i32
    %lt3A = arith.constant 0 : i32
    %lt3A_11 = arith.cmpi slt, %rem3A, %lt3A : i32
    %lt3A_12 = arith.constant 0 : i32
    %lt3A_13 = arith.cmpi slt, %select_n3A, %lt3A_12 : i32
    %ne3A_14 = arith.xori %lt3A_11, %lt3A_13 : i1
    %and3A = arith.andi %ne3A_14, %ne3A_10 : i1
    %add3A_15 = arith.addi %rem3A, %select_n3A : i32
    %select_n3A_16 = arith.select %and3A, %add3A_15, %rem3A : i32
    %eq3A_17 = arith.constant 0 : i32
    %eq3A_18 = arith.cmpi eq, %select_n3A_16, %eq3A_17 : i32
    %iota3A = tpu.iota {dimensions = array<i32: 0>} : vector<16xi32>
    %add3A_19 = arith.constant 0 : i32
    %add3A_20 = arith.addi %sub3A_7, %add3A_19 : i32
    %add3A_21 = vector.broadcast %add3A_20 : i32 to vector<16xi32>
    %add3A_22 = arith.addi %add3A_21, %iota3A : vector<16xi32>
    %max3A_23 = arith.constant 0 : i32
    %max3A_24 = vector.broadcast %max3A_23 : i32 to vector<16xi32>
    %max3A_25 = arith.maxsi %add3A_22, %max3A_24 : vector<16xi32>
    %gather3A = tpu.vector_load_idx %arg5[%max3A_25] : memref<264xi32, #tpu.memory_space<vmem>>[vector<16xi32>], vector<16xi32>,
    %eq3A_26 = arith.constant 0 : i32
    %eq3A_27 = vector.broadcast %eq3A_26 : i32 to vector<16xi32>
    %eq3A_28 = arith.cmpi eq, %iota3A, %eq3A_27 : vector<16xi32>
    %and3A_29 = vector.broadcast %eq3A_18 : i1 to vector<16xi1>
    %and3A_30 = arith.andi %and3A_29, %eq3A_28 : vector<16xi1>
    %jit3A_31 = arith.constant 0 : i32
    %broadcast_in_dim3A = vector.broadcast %jit3A_31 : i32 to vector<16xi32>
    %select_n3A_32 = arith.select %and3A_30, %broadcast_in_dim3A, %gather3A : vector<16xi1>, vector<16xi32>
    %swap3A = arith.constant 0 : index
    %swap3A_33 = tpu.vector_load %arg6[%swap3A] {strides = array<i32>} : memref<256xi32, #tpu.memory_space<vmem>>, vector<16xi32>,
    tpu.vector_store %arg6[%swap3A], %select_n3A_32 {strides = array<i32>} : memref<256xi32, #tpu.memory_space<vmem>>, vector<16xi32>,
    %add3A_34 = arith.constant 16 : i32
    %add3A_35 = arith.addi %sub3A_7, %add3A_34 : i32
    %add3A_36 = vector.broadcast %add3A_35 : i32 to vector<16xi32>
    %add3A_37 = arith.addi %add3A_36, %iota3A : vector<16xi32>
    %max3A_38 = arith.constant 0 : i32
    %max3A_39 = vector.broadcast %max3A_38 : i32 to vector<16xi32>
    %max3A_40 = arith.maxsi %add3A_37, %max3A_39 : vector<16xi32>
    %gather3A_41 = tpu.vector_load_idx %arg5[%max3A_40] : memref<264xi32, #tpu.memory_space<vmem>>[vector<16xi32>], vector<16xi32>,
    %swap3A_42 = arith.constant 16 : index
    %swap3A_43 = tpu.vector_load %arg6[%swap3A_42] {strides = array<i32>} : memref<256xi32, #tpu.memory_space<vmem>>, vector<16xi32>,
    tpu.vector_store %arg6[%swap3A_42], %gather3A_41 {strides = array<i32>} : memref<256xi32, #tpu.memory_space<vmem>>, vector<16xi32>,
    %add3A_44 = arith.constant 32 : i32
    %add3A_45 = arith.addi %sub3A_7, %add3A_44 : i32
    %add3A_46 = vector.broadcast %add3A_45 : i32 to vector<16xi32>
    %add3A_47 = arith.addi %add3A_46, %iota3A : vector<16xi32>
    %max3A_48 = arith.constant 0 : i32
    %max3A_49 = vector.broadcast %max3A_48 : i32 to vector<16xi32>
    %max3A_50 = arith.maxsi %add3A_47, %max3A_49 : vector<16xi32>
    %gather3A_51 = tpu.vector_load_idx %arg5[%max3A_50] : memref<264xi32, #tpu.memory_space<vmem>>[vector<16xi32>], vector<16xi32>,
    %swap3A_52 = arith.constant 32 : index
    %swap3A_53 = tpu.vector_load %arg6[%swap3A_52] {strides = array<i32>} : memref<256xi32, #tpu.memory_space<vmem>>, vector<16xi32>,
    tpu.vector_store %arg6[%swap3A_52], %gather3A_51 {strides = array<i32>} : memref<256xi32, #tpu.memory_space<vmem>>, vector<16xi32>,
    %add3A_54 = arith.constant 48 : i32
    %add3A_55 = arith.addi %sub3A_7, %add3A_54 : i32
    %add3A_56 = vector.broadcast %add3A_55 : i32 to vector<16xi32>
    %add3A_57 = arith.addi %add3A_56, %iota3A : vector<16xi32>
    %max3A_58 = arith.constant 0 : i32
    %max3A_59 = vector.broadcast %max3A_58 : i32 to vector<16xi32>
    %max3A_60 = arith.maxsi %add3A_57, %max3A_59 : vector<16xi32>
    %gather3A_61 = tpu.vector_load_idx %arg5[%max3A_60] : memref<264xi32, #tpu.memory_space<vmem>>[vector<16xi32>], vector<16xi32>,
    %swap3A_62 = arith.constant 48 : index
    %swap3A_63 = tpu.vector_load %arg6[%swap3A_62] {strides = array<i32>} : memref<256xi32, #tpu.memory_space<vmem>>, vector<16xi32>,
    tpu.vector_store %arg6[%swap3A_62], %gather3A_61 {strides = array<i32>} : memref<256xi32, #tpu.memory_space<vmem>>, vector<16xi32>,
    %add3A_64 = arith.constant 64 : i32
    %add3A_65 = arith.addi %sub3A_7, %add3A_64 : i32
    %add3A_66 = vector.broadcast %add3A_65 : i32 to vector<16xi32>
    %add3A_67 = arith.addi %add3A_66, %iota3A : vector<16xi32>
    %max3A_68 = arith.constant 0 : i32
    %max3A_69 = vector.broadcast %max3A_68 : i32 to vector<16xi32>
    %max3A_70 = arith.maxsi %add3A_67, %max3A_69 : vector<16xi32>
    %gather3A_71 = tpu.vector_load_idx %arg5[%max3A_70] : memref<264xi32, #tpu.memory_space<vmem>>[vector<16xi32>], vector<16xi32>,
    %swap3A_72 = arith.constant 64 : index
    %swap3A_73 = tpu.vector_load %arg6[%swap3A_72] {strides = array<i32>} : memref<256xi32, #tpu.memory_space<vmem>>, vector<16xi32>,
    tpu.vector_store %arg6[%swap3A_72], %gather3A_71 {strides = array<i32>} : memref<256xi32, #tpu.memory_space<vmem>>, vector<16xi32>,
    %add3A_74 = arith.constant 80 : i32
    %add3A_75 = arith.addi %sub3A_7, %add3A_74 : i32
    %add3A_76 = vector.broadcast %add3A_75 : i32 to vector<16xi32>
    %add3A_77 = arith.addi %add3A_76, %iota3A : vector<16xi32>
    %max3A_78 = arith.constant 0 : i32
    %max3A_79 = vector.broadcast %max3A_78 : i32 to vector<16xi32>
    %max3A_80 = arith.maxsi %add3A_77, %max3A_79 : vector<16xi32>
    %gather3A_81 = tpu.vector_load_idx %arg5[%max3A_80] : memref<264xi32, #tpu.memory_space<vmem>>[vector<16xi32>], vector<16xi32>,
    %swap3A_82 = arith.constant 80 : index
    %swap3A_83 = tpu.vector_load %arg6[%swap3A_82] {strides = array<i32>} : memref<256xi32, #tpu.memory_space<vmem>>, vector<16xi32>,
    tpu.vector_store %arg6[%swap3A_82], %gather3A_81 {strides = array<i32>} : memref<256xi32, #tpu.memory_space<vmem>>, vector<16xi32>,
    %add3A_84 = arith.constant 96 : i32
    %add3A_85 = arith.addi %sub3A_7, %add3A_84 : i32
    %add3A_86 = vector.broadcast %add3A_85 : i32 to vector<16xi32>
    %add3A_87 = arith.addi %add3A_86, %iota3A : vector<16xi32>
    %max3A_88 = arith.constant 0 : i32
    %max3A_89 = vector.broadcast %max3A_88 : i32 to vector<16xi32>
    %max3A_90 = arith.maxsi %add3A_87, %max3A_89 : vector<16xi32>
    %gather3A_91 = tpu.vector_load_idx %arg5[%max3A_90] : memref<264xi32, #tpu.memory_space<vmem>>[vector<16xi32>], vector<16xi32>,
    %swap3A_92 = arith.constant 96 : index
    %swap3A_93 = tpu.vector_load %arg6[%swap3A_92] {strides = array<i32>} : memref<256xi32, #tpu.memory_space<vmem>>, vector<16xi32>,
    tpu.vector_store %arg6[%swap3A_92], %gather3A_91 {strides = array<i32>} : memref<256xi32, #tpu.memory_space<vmem>>, vector<16xi32>,
    %add3A_94 = arith.constant 112 : i32
    %add3A_95 = arith.addi %sub3A_7, %add3A_94 : i32
    %add3A_96 = vector.broadcast %add3A_95 : i32 to vector<16xi32>
    %add3A_97 = arith.addi %add3A_96, %iota3A : vector<16xi32>
    %max3A_98 = arith.constant 0 : i32
    %max3A_99 = vector.broadcast %max3A_98 : i32 to vector<16xi32>
    %max3A_100 = arith.maxsi %add3A_97, %max3A_99 : vector<16xi32>
    %gather3A_101 = tpu.vector_load_idx %arg5[%max3A_100] : memref<264xi32, #tpu.memory_space<vmem>>[vector<16xi32>], vector<16xi32>,
    %swap3A_102 = arith.constant 112 : index
    %swap3A_103 = tpu.vector_load %arg6[%swap3A_102] {strides = array<i32>} : memref<256xi32, #tpu.memory_space<vmem>>, vector<16xi32>,
    tpu.vector_store %arg6[%swap3A_102], %gather3A_101 {strides = array<i32>} : memref<256xi32, #tpu.memory_space<vmem>>, vector<16xi32>,
    %dma_start3A = arith.constant 0 : i32
    %dma_start3A_104 = arith.constant 0 : i32
    %dma_start3A_105 = arith.constant 0 : i32
    %dma_start3A_106 = tpu.memref_slice %arg7[%dma_start3A, %dma_start3A_104, %dma_start3A_105] : memref<2x128x128xf32, #tpu.memory_space<vmem>> -> memref<1x128x128xf32, #tpu.memory_space<vmem>>
    %dma_start3A_107 = tpu.memref_squeeze %dma_start3A_106 : memref<1x128x128xf32, #tpu.memory_space<vmem>> -> memref<128x128xf32, #tpu.memory_space<vmem>>
    %dma_start3A_108 = arith.constant 0 : i32
    %dma_start3A_109 = tpu.memref_slice %arg6[%dma_start3A_108] : memref<256xi32, #tpu.memory_space<vmem>> -> memref<128xi32, #tpu.memory_space<vmem>>
    %dma_start3A_110 = arith.constant 0 : i32
    %dma_start3A_111 = arith.constant 0 : i32
    %dma_start3A_112 = tpu.memref_slice %arg3[%dma_start3A_110, %dma_start3A_111] : memref<100000x128xf32, #tpu.memory_space<hbm>> -> memref<100000x128xf32, #tpu.memory_space<hbm>>
    tpu.enqueue_indirect_dma source(%dma_start3A_112 : memref<100000x128xf32, #tpu.memory_space<hbm>>) target(%dma_start3A_107 : memref<128x128xf32, #tpu.memory_space<vmem>>) offsets(%dma_start3A_109 : memref<128xi32, #tpu.memory_space<vmem>>) semaphore(%arg8 : memref<!tpu.dma_semaphore, #tpu.memory_space<semaphore_mem>>)
    %add3A_113 = arith.constant 128 : i32
    %add3A_114 = arith.addi %sub3A_7, %add3A_113 : i32
    %add3A_115 = vector.broadcast %add3A_114 : i32 to vector<16xi32>
    %add3A_116 = arith.addi %add3A_115, %iota3A : vector<16xi32>
    %max3A_117 = arith.constant 0 : i32
    %max3A_118 = vector.broadcast %max3A_117 : i32 to vector<16xi32>
    %max3A_119 = arith.maxsi %add3A_116, %max3A_118 : vector<16xi32>
    %gather3A_120 = tpu.vector_load_idx %arg5[%max3A_119] : memref<264xi32, #tpu.memory_space<vmem>>[vector<16xi32>], vector<16xi32>,
    %swap3A_121 = arith.constant 128 : index
    %swap3A_122 = tpu.vector_load %arg6[%swap3A_121] {strides = array<i32>} : memref<256xi32, #tpu.memory_space<vmem>>, vector<16xi32>,
    tpu.vector_store %arg6[%swap3A_121], %gather3A_120 {strides = array<i32>} : memref<256xi32, #tpu.memory_space<vmem>>, vector<16xi32>,
    %add3A_123 = arith.constant 144 : i32
    %add3A_124 = arith.addi %sub3A_7, %add3A_123 : i32
    %add3A_125 = vector.broadcast %add3A_124 : i32 to vector<16xi32>
    %add3A_126 = arith.addi %add3A_125, %iota3A : vector<16xi32>
    %max3A_127 = arith.constant 0 : i32
    %max3A_128 = vector.broadcast %max3A_127 : i32 to vector<16xi32>
    %max3A_129 = arith.maxsi %add3A_126, %max3A_128 : vector<16xi32>
    %gather3A_130 = tpu.vector_load_idx %arg5[%max3A_129] : memref<264xi32, #tpu.memory_space<vmem>>[vector<16xi32>], vector<16xi32>,
    %swap3A_131 = arith.constant 144 : index
    %swap3A_132 = tpu.vector_load %arg6[%swap3A_131] {strides = array<i32>} : memref<256xi32, #tpu.memory_space<vmem>>, vector<16xi32>,
    tpu.vector_store %arg6[%swap3A_131], %gather3A_130 {strides = array<i32>} : memref<256xi32, #tpu.memory_space<vmem>>, vector<16xi32>,
    %add3A_133 = arith.constant 160 : i32
    %add3A_134 = arith.addi %sub3A_7, %add3A_133 : i32
    %add3A_135 = vector.broadcast %add3A_134 : i32 to vector<16xi32>
    %add3A_136 = arith.addi %add3A_135, %iota3A : vector<16xi32>
    %max3A_137 = arith.constant 0 : i32
    %max3A_138 = vector.broadcast %max3A_137 : i32 to vector<16xi32>
    %max3A_139 = arith.maxsi %add3A_136, %max3A_138 : vector<16xi32>
    %gather3A_140 = tpu.vector_load_idx %arg5[%max3A_139] : memref<264xi32, #tpu.memory_space<vmem>>[vector<16xi32>], vector<16xi32>,
    %swap3A_141 = arith.constant 160 : index
    %swap3A_142 = tpu.vector_load %arg6[%swap3A_141] {strides = array<i32>} : memref<256xi32, #tpu.memory_space<vmem>>, vector<16xi32>,
    tpu.vector_store %arg6[%swap3A_141], %gather3A_140 {strides = array<i32>} : memref<256xi32, #tpu.memory_space<vmem>>, vector<16xi32>,
    %add3A_143 = arith.constant 176 : i32
    %add3A_144 = arith.addi %sub3A_7, %add3A_143 : i32
    %add3A_145 = vector.broadcast %add3A_144 : i32 to vector<16xi32>
    %add3A_146 = arith.addi %add3A_145, %iota3A : vector<16xi32>
    %max3A_147 = arith.constant 0 : i32
    %max3A_148 = vector.broadcast %max3A_147 : i32 to vector<16xi32>
    %max3A_149 = arith.maxsi %add3A_146, %max3A_148 : vector<16xi32>
    %gather3A_150 = tpu.vector_load_idx %arg5[%max3A_149] : memref<264xi32, #tpu.memory_space<vmem>>[vector<16xi32>], vector<16xi32>,
    %swap3A_151 = arith.constant 176 : index
    %swap3A_152 = tpu.vector_load %arg6[%swap3A_151] {strides = array<i32>} : memref<256xi32, #tpu.memory_space<vmem>>, vector<16xi32>,
    tpu.vector_store %arg6[%swap3A_151], %gather3A_150 {strides = array<i32>} : memref<256xi32, #tpu.memory_space<vmem>>, vector<16xi32>,
    %add3A_153 = arith.constant 192 : i32
    %add3A_154 = arith.addi %sub3A_7, %add3A_153 : i32
    %add3A_155 = vector.broadcast %add3A_154 : i32 to vector<16xi32>
    %add3A_156 = arith.addi %add3A_155, %iota3A : vector<16xi32>
    %max3A_157 = arith.constant 0 : i32
    %max3A_158 = vector.broadcast %max3A_157 : i32 to vector<16xi32>
    %max3A_159 = arith.maxsi %add3A_156, %max3A_158 : vector<16xi32>
    %gather3A_160 = tpu.vector_load_idx %arg5[%max3A_159] : memref<264xi32, #tpu.memory_space<vmem>>[vector<16xi32>], vector<16xi32>,
    %swap3A_161 = arith.constant 192 : index
    %swap3A_162 = tpu.vector_load %arg6[%swap3A_161] {strides = array<i32>} : memref<256xi32, #tpu.memory_space<vmem>>, vector<16xi32>,
    tpu.vector_store %arg6[%swap3A_161], %gather3A_160 {strides = array<i32>} : memref<256xi32, #tpu.memory_space<vmem>>, vector<16xi32>,
    %add3A_163 = arith.constant 208 : i32
    %add3A_164 = arith.addi %sub3A_7, %add3A_163 : i32
    %add3A_165 = vector.broadcast %add3A_164 : i32 to vector<16xi32>
    %add3A_166 = arith.addi %add3A_165, %iota3A : vector<16xi32>
    %max3A_167 = arith.constant 0 : i32
    %max3A_168 = vector.broadcast %max3A_167 : i32 to vector<16xi32>
    %max3A_169 = arith.maxsi %add3A_166, %max3A_168 : vector<16xi32>
    %gather3A_170 = tpu.vector_load_idx %arg5[%max3A_169] : memref<264xi32, #tpu.memory_space<vmem>>[vector<16xi32>], vector<16xi32>,
    %swap3A_171 = arith.constant 208 : index
    %swap3A_172 = tpu.vector_load %arg6[%swap3A_171] {strides = array<i32>} : memref<256xi32, #tpu.memory_space<vmem>>, vector<16xi32>,
    tpu.vector_store %arg6[%swap3A_171], %gather3A_170 {strides = array<i32>} : memref<256xi32, #tpu.memory_space<vmem>>, vector<16xi32>,
    %add3A_173 = arith.constant 224 : i32
    %add3A_174 = arith.addi %sub3A_7, %add3A_173 : i32
    %add3A_175 = vector.broadcast %add3A_174 : i32 to vector<16xi32>
    %add3A_176 = arith.addi %add3A_175, %iota3A : vector<16xi32>
    %max3A_177 = arith.constant 0 : i32
    %max3A_178 = vector.broadcast %max3A_177 : i32 to vector<16xi32>
    %max3A_179 = arith.maxsi %add3A_176, %max3A_178 : vector<16xi32>
    %gather3A_180 = tpu.vector_load_idx %arg5[%max3A_179] : memref<264xi32, #tpu.memory_space<vmem>>[vector<16xi32>], vector<16xi32>,
    %swap3A_181 = arith.constant 224 : index
    %swap3A_182 = tpu.vector_load %arg6[%swap3A_181] {strides = array<i32>} : memref<256xi32, #tpu.memory_space<vmem>>, vector<16xi32>,
    tpu.vector_store %arg6[%swap3A_181], %gather3A_180 {strides = array<i32>} : memref<256xi32, #tpu.memory_space<vmem>>, vector<16xi32>,
    %add3A_183 = arith.constant 240 : i32
    %add3A_184 = arith.addi %sub3A_7, %add3A_183 : i32
    %add3A_185 = vector.broadcast %add3A_184 : i32 to vector<16xi32>
    %add3A_186 = arith.addi %add3A_185, %iota3A : vector<16xi32>
    %max3A_187 = arith.constant 0 : i32
    %max3A_188 = vector.broadcast %max3A_187 : i32 to vector<16xi32>
    %max3A_189 = arith.maxsi %add3A_186, %max3A_188 : vector<16xi32>
    %gather3A_190 = tpu.vector_load_idx %arg5[%max3A_189] : memref<264xi32, #tpu.memory_space<vmem>>[vector<16xi32>], vector<16xi32>,
    %swap3A_191 = arith.constant 240 : index
    %swap3A_192 = tpu.vector_load %arg6[%swap3A_191] {strides = array<i32>} : memref<256xi32, #tpu.memory_space<vmem>>, vector<16xi32>,
    tpu.vector_store %arg6[%swap3A_191], %gather3A_190 {strides = array<i32>} : memref<256xi32, #tpu.memory_space<vmem>>, vector<16xi32>,
    %dma_start3A_193 = arith.constant 1 : i32
    %dma_start3A_194 = arith.constant 0 : i32
    %dma_start3A_195 = arith.constant 0 : i32
    %dma_start3A_196 = tpu.memref_slice %arg7[%dma_start3A_193, %dma_start3A_194, %dma_start3A_195] : memref<2x128x128xf32, #tpu.memory_space<vmem>> -> memref<1x128x128xf32, #tpu.memory_space<vmem>>
    %dma_start3A_197 = tpu.memref_squeeze %dma_start3A_196 : memref<1x128x128xf32, #tpu.memory_space<vmem>> -> memref<128x128xf32, #tpu.memory_space<vmem>>
    %dma_start3A_198 = arith.constant 128 : i32
    %dma_start3A_199 = tpu.memref_slice %arg6[%dma_start3A_198] : memref<256xi32, #tpu.memory_space<vmem>> -> memref<128xi32, #tpu.memory_space<vmem>>
    %dma_start3A_200 = arith.constant 0 : i32
    %dma_start3A_201 = arith.constant 0 : i32
    %dma_start3A_202 = tpu.memref_slice %arg3[%dma_start3A_200, %dma_start3A_201] : memref<100000x128xf32, #tpu.memory_space<hbm>> -> memref<100000x128xf32, #tpu.memory_space<hbm>>
    tpu.enqueue_indirect_dma source(%dma_start3A_202 : memref<100000x128xf32, #tpu.memory_space<hbm>>) target(%dma_start3A_197 : memref<128x128xf32, #tpu.memory_space<vmem>>) offsets(%dma_start3A_199 : memref<128xi32, #tpu.memory_space<vmem>>) semaphore(%arg9 : memref<!tpu.dma_semaphore, #tpu.memory_space<semaphore_mem>>)
    %dma_wait3A = arith.constant 0 : i32
    %dma_wait3A_203 = arith.constant 0 : i32
    %dma_wait3A_204 = arith.constant 0 : i32
    %dma_wait3A_205 = tpu.memref_slice %arg7[%dma_wait3A, %dma_wait3A_203, %dma_wait3A_204] : memref<2x128x128xf32, #tpu.memory_space<vmem>> -> memref<1x128x128xf32, #tpu.memory_space<vmem>>
    %dma_wait3A_206 = tpu.memref_squeeze %dma_wait3A_205 : memref<1x128x128xf32, #tpu.memory_space<vmem>> -> memref<128x128xf32, #tpu.memory_space<vmem>>
    %dma_wait3A_207 = arith.constant 0 : i32
    %dma_wait3A_208 = tpu.memref_slice %arg6[%dma_wait3A_207] : memref<256xi32, #tpu.memory_space<vmem>> -> memref<128xi32, #tpu.memory_space<vmem>>
    %dma_wait3A_209 = arith.constant 0 : i32
    %dma_wait3A_210 = arith.constant 0 : i32
    %dma_wait3A_211 = tpu.memref_slice %arg3[%dma_wait3A_209, %dma_wait3A_210] : memref<100000x128xf32, #tpu.memory_space<hbm>> -> memref<100000x128xf32, #tpu.memory_space<hbm>>
    tpu.wait_indirect_dma semaphore(%arg8 : memref<!tpu.dma_semaphore, #tpu.memory_space<semaphore_mem>>) src(%dma_wait3A_211 : memref<100000x128xf32, #tpu.memory_space<hbm>>) dst(%dma_wait3A_206 : memref<128x128xf32, #tpu.memory_space<vmem>>)
    %add3A_212 = arith.constant 0 : i32
    %add3A_213 = arith.addi %mul3A_2, %add3A_212 : i32
    %dma_start3A_214 = arith.constant 0 : i32
    %dma_start3A_215 = arith.constant 0 : i32
    %dma_start3A_216 = arith.constant 0 : i32
    %dma_start3A_217 = tpu.memref_slice %arg7[%dma_start3A_214, %dma_start3A_215, %dma_start3A_216] : memref<2x128x128xf32, #tpu.memory_space<vmem>> -> memref<1x128x128xf32, #tpu.memory_space<vmem>>
    %dma_start3A_218 = tpu.memref_squeeze %dma_start3A_217 : memref<1x128x128xf32, #tpu.memory_space<vmem>> -> memref<128x128xf32, #tpu.memory_space<vmem>>
    %dma_start3A_219 = arith.constant 0 : i32
    %dma_start3A_220 = tpu.memref_slice %arg4[%add3A_213, %dma_start3A_219] : memref<8192x128xf32, #tpu.memory_space<hbm>> -> memref<128x128xf32, #tpu.memory_space<hbm>>
    %dma_start3A_221 = arith.constant 0 : i32
    %dma_start3A_222 = tpu.memref_slice %arg4[%add3A_213, %dma_start3A_221] : memref<8192x128xf32, #tpu.memory_space<hbm>> -> memref<128x128xf32, #tpu.memory_space<hbm>>
    %dma_start3A_223 = arith.constant 0 : i32
    %dma_start3A_224 = arith.constant 0 : i32
    %dma_start3A_225 = tpu.memref_slice %arg7[%dma_start3A_214, %dma_start3A_223, %dma_start3A_224] : memref<2x128x128xf32, #tpu.memory_space<vmem>> -> memref<1x128x128xf32, #tpu.memory_space<vmem>>
    %dma_start3A_226 = tpu.memref_squeeze %dma_start3A_225 : memref<1x128x128xf32, #tpu.memory_space<vmem>> -> memref<128x128xf32, #tpu.memory_space<vmem>>
    tpu.enqueue_dma source(%dma_start3A_226 : memref<128x128xf32, #tpu.memory_space<vmem>>) target(%dma_start3A_222 : memref<128x128xf32, #tpu.memory_space<hbm>>) target_semaphore(%arg10 : memref<!tpu.dma_semaphore, #tpu.memory_space<semaphore_mem>>)
    %dma_wait3A_227 = arith.constant 1 : i32
    %dma_wait3A_228 = arith.constant 0 : i32
    %dma_wait3A_229 = arith.constant 0 : i32
    %dma_wait3A_230 = tpu.memref_slice %arg7[%dma_wait3A_227, %dma_wait3A_228, %dma_wait3A_229] : memref<2x128x128xf32, #tpu.memory_space<vmem>> -> memref<1x128x128xf32, #tpu.memory_space<vmem>>
    %dma_wait3A_231 = tpu.memref_squeeze %dma_wait3A_230 : memref<1x128x128xf32, #tpu.memory_space<vmem>> -> memref<128x128xf32, #tpu.memory_space<vmem>>
    %dma_wait3A_232 = arith.constant 128 : i32
    %dma_wait3A_233 = tpu.memref_slice %arg6[%dma_wait3A_232] : memref<256xi32, #tpu.memory_space<vmem>> -> memref<128xi32, #tpu.memory_space<vmem>>
    %dma_wait3A_234 = arith.constant 0 : i32
    %dma_wait3A_235 = arith.constant 0 : i32
    %dma_wait3A_236 = tpu.memref_slice %arg3[%dma_wait3A_234, %dma_wait3A_235] : memref<100000x128xf32, #tpu.memory_space<hbm>> -> memref<100000x128xf32, #tpu.memory_space<hbm>>
    tpu.wait_indirect_dma semaphore(%arg9 : memref<!tpu.dma_semaphore, #tpu.memory_space<semaphore_mem>>) src(%dma_wait3A_236 : memref<100000x128xf32, #tpu.memory_space<hbm>>) dst(%dma_wait3A_231 : memref<128x128xf32, #tpu.memory_space<vmem>>)
    %add3A_237 = arith.constant 128 : i32
    %add3A_238 = arith.addi %mul3A_2, %add3A_237 : i32
    %dma_start3A_239 = arith.constant 1 : i32
    %dma_start3A_240 = arith.constant 0 : i32
    %dma_start3A_241 = arith.constant 0 : i32
    %dma_start3A_242 = tpu.memref_slice %arg7[%dma_start3A_239, %dma_start3A_240, %dma_start3A_241] : memref<2x128x128xf32, #tpu.memory_space<vmem>> -> memref<1x128x128xf32, #tpu.memory_space<vmem>>
    %dma_start3A_243 = tpu.memref_squeeze %dma_start3A_242 : memref<1x128x128xf32, #tpu.memory_space<vmem>> -> memref<128x128xf32, #tpu.memory_space<vmem>>
    %dma_start3A_244 = arith.constant 0 : i32
    %dma_start3A_245 = tpu.memref_slice %arg4[%add3A_238, %dma_start3A_244] : memref<8192x128xf32, #tpu.memory_space<hbm>> -> memref<128x128xf32, #tpu.memory_space<hbm>>
    %dma_start3A_246 = arith.constant 0 : i32
    %dma_start3A_247 = tpu.memref_slice %arg4[%add3A_238, %dma_start3A_246] : memref<8192x128xf32, #tpu.memory_space<hbm>> -> memref<128x128xf32, #tpu.memory_space<hbm>>
    %dma_start3A_248 = arith.constant 0 : i32
    %dma_start3A_249 = arith.constant 0 : i32
    %dma_start3A_250 = tpu.memref_slice %arg7[%dma_start3A_239, %dma_start3A_248, %dma_start3A_249] : memref<2x128x128xf32, #tpu.memory_space<vmem>> -> memref<1x128x128xf32, #tpu.memory_space<vmem>>
    %dma_start3A_251 = tpu.memref_squeeze %dma_start3A_250 : memref<1x128x128xf32, #tpu.memory_space<vmem>> -> memref<128x128xf32, #tpu.memory_space<vmem>>
    tpu.enqueue_dma source(%dma_start3A_251 : memref<128x128xf32, #tpu.memory_space<vmem>>) target(%dma_start3A_247 : memref<128x128xf32, #tpu.memory_space<hbm>>) target_semaphore(%arg10 : memref<!tpu.dma_semaphore, #tpu.memory_space<semaphore_mem>>)
    %dma_wait3A_252 = arith.constant 0 : i32
    %dma_wait3A_253 = arith.constant 0 : i32
    %dma_wait3A_254 = arith.constant 0 : i32
    %dma_wait3A_255 = tpu.memref_slice %arg7[%dma_wait3A_252, %dma_wait3A_253, %dma_wait3A_254] : memref<2x128x128xf32, #tpu.memory_space<vmem>> -> memref<1x128x128xf32, #tpu.memory_space<vmem>>
    %dma_wait3A_256 = tpu.memref_squeeze %dma_wait3A_255 : memref<1x128x128xf32, #tpu.memory_space<vmem>> -> memref<128x128xf32, #tpu.memory_space<vmem>>
    %dma_wait3A_257 = arith.constant 0 : i32
    %dma_wait3A_258 = tpu.memref_slice %arg4[%add3A_213, %dma_wait3A_257] : memref<8192x128xf32, #tpu.memory_space<hbm>> -> memref<128x128xf32, #tpu.memory_space<hbm>>
    %dma_wait3A_259 = arith.constant 0 : i32
    %dma_wait3A_260 = tpu.memref_slice %arg4[%add3A_213, %dma_wait3A_259] : memref<8192x128xf32, #tpu.memory_space<hbm>> -> memref<128x128xf32, #tpu.memory_space<hbm>>
    %dma_wait3A_261 = arith.constant 0 : i32
    %dma_wait3A_262 = arith.constant 0 : i32
    %dma_wait3A_263 = tpu.memref_slice %arg7[%dma_wait3A_252, %dma_wait3A_261, %dma_wait3A_262] : memref<2x128x128xf32, #tpu.memory_space<vmem>> -> memref<1x128x128xf32, #tpu.memory_space<vmem>>
    %dma_wait3A_264 = tpu.memref_squeeze %dma_wait3A_263 : memref<1x128x128xf32, #tpu.memory_space<vmem>> -> memref<128x128xf32, #tpu.memory_space<vmem>>
    tpu.wait_dma2 semaphore(%arg10 : memref<!tpu.dma_semaphore, #tpu.memory_space<semaphore_mem>>) src(%dma_wait3A_264 : memref<128x128xf32, #tpu.memory_space<vmem>>) dst(%dma_wait3A_260 : memref<128x128xf32, #tpu.memory_space<hbm>>)
    %dma_wait3A_265 = arith.constant 1 : i32
    %dma_wait3A_266 = arith.constant 0 : i32
    %dma_wait3A_267 = arith.constant 0 : i32
    %dma_wait3A_268 = tpu.memref_slice %arg7[%dma_wait3A_265, %dma_wait3A_266, %dma_wait3A_267] : memref<2x128x128xf32, #tpu.memory_space<vmem>> -> memref<1x128x128xf32, #tpu.memory_space<vmem>>
    %dma_wait3A_269 = tpu.memref_squeeze %dma_wait3A_268 : memref<1x128x128xf32, #tpu.memory_space<vmem>> -> memref<128x128xf32, #tpu.memory_space<vmem>>
    %dma_wait3A_270 = arith.constant 0 : i32
    %dma_wait3A_271 = tpu.memref_slice %arg4[%add3A_238, %dma_wait3A_270] : memref<8192x128xf32, #tpu.memory_space<hbm>> -> memref<128x128xf32, #tpu.memory_space<hbm>>
    %dma_wait3A_272 = arith.constant 0 : i32
    %dma_wait3A_273 = tpu.memref_slice %arg4[%add3A_238, %dma_wait3A_272] : memref<8192x128xf32, #tpu.memory_space<hbm>> -> memref<128x128xf32, #tpu.memory_space<hbm>>
    %dma_wait3A_274 = arith.constant 0 : i32
    %dma_wait3A_275 = arith.constant 0 : i32
    %dma_wait3A_276 = tpu.memref_slice %arg7[%dma_wait3A_265, %dma_wait3A_274, %dma_wait3A_275] : memref<2x128x128xf32, #tpu.memory_space<vmem>> -> memref<1x128x128xf32, #tpu.memory_space<vmem>>
    %dma_wait3A_277 = tpu.memref_squeeze %dma_wait3A_276 : memref<1x128x128xf32, #tpu.memory_space<vmem>> -> memref<128x128xf32, #tpu.memory_space<vmem>>
    tpu.wait_dma2 semaphore(%arg10 : memref<!tpu.dma_semaphore, #tpu.memory_space<semaphore_mem>>) src(%dma_wait3A_277 : memref<128x128xf32, #tpu.memory_space<vmem>>) dst(%dma_wait3A_273 : memref<128x128xf32, #tpu.memory_space<hbm>>)
    return
  }
}

</mosaic_0001>

<sc_bundles>
// kernel: _lookup.3.cloned.1.call-start
scs
__scs_entry_jumppad:
0x0: {  	(pc) =	sbr.rel $0x88, $3  }
0x1: {  	(tag) =	ssettag $0x0;
	lr =	simm.s32 $0x1  }
0x2: {  	[smem:$0x3F9F] =	sst lr;
	_ =	strace $0xD0000000  }
0x3: {  	_ = 	snop  }
0x4: {  	_ = 	snop  }
0x5: {  	_ = 	snop  }
0x6: {  	_ = 	snop  }
0x7: {  	_ = 	snop  }
__scs_overlays_trampoline_lowered:
0x8: {  	[smem:$0x3FAE] =	sst s0  }
0x9: {  	[smem:$0x3FAF] =	sst s1  }
0xa: {  	[smem:$0x3FB0] =	sst s2  }
0xb: {  	[smem:$0x3FB1] =	sst s3  }
0xc: {  	[smem:$0x3FB2] =	sst s4  }
0xd: {  	[smem:$0x3FB3] =	sst s5  }
0xe: {  	[smem:$0x3FB4] =	sst s6  }
0xf: {  	[smem:$0x3FB5] =	sst s7  }
0x10: {  	[smem:$0x3FB6] =	sst s8  }
0x11: {  	[smem:$0x3FB7] =	sst s9;
	s0 =	simm.s32 @!p0 $0x0  }
0x12: {  	s1 =	sld [smem:$0x3F9D];
	s0 =	simm.s32 @p0 $0x1  }
0x13: {  	[smem:$0x3FB8] =	sst s0;
	s0 =	simm.s32 @!p1 $0x0  }
0x14: {  	s2 =	sld [smem:$0x3F9C];
	s0 =	simm.s32 @p1 $0x1  }
0x15: {  	[smem:$0x3FB9] =	sst s0;
	s0 =	simm.s32 @!p2 $0x0  }
0x16: {  	s3 =	sld [smem:$0x3FDB];
	s0 =	simm.s32 @p2 $0x1  }
0x17: {  	s4 =	simm.s32 $0x1BF5;
	[smem:$0x3FBB] =	sst s0  }
0x18: {  	s0 =	sld [smem:$0x3F9E];
	_ =	swait.ge [sflag:s4], $0x0  }
0x19: {  	s7 =	sld [smem:$0x3F9F]  }
0x1a: {  	s8 =	sadd.s32 $0xFFFFE003, lr  }
0x1b: {  	s9 =	sadd.s32 $0xFFFFFEF7, lr;
	s5 =	simm.s32 $0xFFFFFFFF;
	p2 =	slt.u32 s8, $0xFFFFF086  }
0x1c: {  	p1 =	slt.u32 s9, $0xF7A;
	s5 =	simm.s32 @!p2 $0x0  }
0x1d: {  	s5 =	simm.s32 @p1 $0x1;
	p0 =	seq.s32 s7, s2  }
0x1e: {  	s7 =	smul.u32 @!p0 $0xF7A, s2;
	p2 =	seq.s32 @!p0 s5, $0x0  }
0x1f: {  	s9 =	smul.u32 $0xF7A, s1;
	s8 =	simm.s32 @!p0 $0x1BF5;
	p2 =	por !p2, p0  }
0x20: {  	[sflag:s8] =	ssyncset.s32 @!p0 $0xFFFFF086;
	s6 =	sadd.s32 @!p0 s3, s7;
	s7 =	simm.s32 @!p0 $0x108  }
0x21: {  	s3 =	sadd.s32 s3, s9;
	s6 =	sadd.s32 @!p0 $0x88, s6;
	s7 =	simm.s32 @p2 $0x1082  }
0x22: {  	[simem:s7], [sflag:s8] =	dma.local @!p0 [hbm:s6], $0xF7A  }
0x23: {  	s9 =	sor.u32 $0xD0000000, s2;
	s6 =	simm.s32 $0x108;
	_ =	swait.ge @!p0 [sflag:s8], $0x0  }
0x24: {  	s3 =	sadd.s32 $0x88, s3;
	s6 =	simm.s32 @!p1 $0x1082;
	[sflag:s4] =	ssyncset.s32 $0xFFFFF086  }
0x25: {  	[simem:s6], [sflag:s4] =	dma.local [hbm:s3], $0xF7A  }
0x26: {  	[smem:$0x3F9F] =	sst s1;
	(tag) =	ssettag s2;
	_ =	strace s9  }
0x27: {  	s1 =	sld [smem:$0x3FAF]  }
0x28: {  	s2 =	sld [smem:$0x3FB0]  }
0x29: {  	s4 =	sld [smem:$0x3FB2]  }
0x2a: {  	p0 =	seq.s32 s5, $0x0;
	s5 =	sld [smem:$0x3FB3]  }
0x2b: {  	s6 =	sld [smem:$0x3FB4]  }
0x2c: {  	s7 =	sld [smem:$0x3FB5]  }
0x2d: {  	s3 =	simm.s32 $0x108;
	s8 =	sld [smem:$0x3FB6]  }
0x2e: {  	s3 =	simm.s32 @!p0 $0x1082;
	s9 =	sld [smem:$0x3FB7]  }
0x2f: {  	lr =	sadd.s32 s0, s3;
	s0 =	sld [smem:$0x3FAE]  }
0x30: {  	s3 =	sld [smem:$0x3FB1]  }
0x31: {  	[smem:$0x3FBA] =	sst s10  }
0x32: {  	s10 =	sld [smem:$0x3FB8];
	_ =	sdelay $0x3  }
0x33: {  	p0 =	seq.s32 s10, $0x1;
	s10 =	sld [smem:$0x3FBA];
	_ =	sdelay $0x3  }
0x34: {  	[smem:$0x3FBA] =	sst s10  }
0x35: {  	s10 =	sld [smem:$0x3FB9];
	_ =	sdelay $0x3  }
0x36: {  	p1 =	seq.s32 s10, $0x1;
	s10 =	sld [smem:$0x3FBA];
	_ =	sdelay $0x3  }
0x37: {  	[smem:$0x3FBA] =	sst s10  }
0x38: {  	s10 =	sld [smem:$0x3FBB]  }
0x39: {  	_ = 	snop;
	(pc) =	sbr.ind lr, $3  }
0x3a: {  	_ = 	snop  }
0x3b: {  	_ = 	snop  }
0x3c: {  	p2 =	seq.s32 s10, $0x1;
	s10 =	sld [smem:$0x3FBA]  }
0x3d: {  	_ =	shalt  }
0x3e: {  	_ =	shalt  }
0x3f: {  	_ =	shalt  }
0x40: {  	_ =	shalt  }
0x41: {  	_ =	shalt  }
0x42: {  	_ =	shalt  }
0x43: {  	_ =	shalt  }
0x44: {  	_ =	shalt  }
0x45: {  	_ =	shalt  }
0x46: {  	_ =	shalt  }
0x47: {  	_ =	shalt  }
0x48: {  	_ =	shalt  }
0x49: {  	_ =	shalt  }
0x4a: {  	_ =	shalt  }
0x4b: {  	_ =	shalt  }
0x4c: {  	_ =	shalt  }
0x4d: {  	_ =	shalt  }
0x4e: {  	_ =	shalt  }
0x4f: {  	_ =	shalt  }
0x50: {  	_ =	shalt  }
0x51: {  	_ =	shalt  }
0x52: {  	_ =	shalt  }
0x53: {  	_ =	shalt  }
0x54: {  	_ =	shalt  }
0x55: {  	_ =	shalt  }
0x56: {  	_ =	shalt  }
0x57: {  	_ =	shalt  }
0x58: {  	_ =	shalt  }
0x59: {  	_ =	shalt  }
0x5a: {  	_ =	shalt  }
0x5b: {  	_ =	shalt  }
0x5c: {  	_ =	shalt  }
0x5d: {  	_ =	shalt  }
0x5e: {  	_ =	shalt  }
0x5f: {  	_ =	shalt  }
0x60: {  	_ =	shalt  }
0x61: {  	_ =	shalt  }
0x62: {  	_ =	shalt  }
0x63: {  	_ =	shalt  }
0x64: {  	_ =	shalt  }
0x65: {  	_ =	shalt  }
0x66: {  	_ =	shalt  }
0x67: {  	_ =	shalt  }
0x68: {  	_ =	shalt  }
0x69: {  	_ =	shalt  }
0x6a: {  	_ =	shalt  }
0x6b: {  	_ =	shalt  }
0x6c: {  	_ =	shalt  }
0x6d: {  	_ =	shalt  }
0x6e: {  	_ =	shalt  }
0x6f: {  	_ =	shalt  }
0x70: {  	_ =	shalt  }
0x71: {  	_ =	shalt  }
0x72: {  	_ =	shalt  }
0x73: {  	_ =	shalt  }
0x74: {  	_ =	shalt  }
0x75: {  	_ =	shalt  }
0x76: {  	_ =	shalt  }
0x77: {  	_ =	shalt  }
0x78: {  	_ =	shalt  }
0x79: {  	_ =	shalt  }
0x7a: {  	_ =	shalt  }
0x7b: {  	_ =	shalt  }
0x7c: {  	_ =	shalt  }
0x7d: {  	_ =	shalt  }
0x7e: {  	_ =	shalt  }
0x7f: {  	_ =	shalt  }
0x80: {  	_ =	shalt  }
0x81: {  	_ =	shalt  }
0x82: {  	_ =	shalt  }
0x83: {  	_ =	shalt  }
0x84: {  	_ =	shalt  }
0x85: {  	_ =	shalt  }
0x86: {  	_ =	shalt  }
0x87: {  	_ =	shalt  }
.Lfunc_end0:
.L_simem_size_0:
called_computation_lowered:
.L_overlay_start_0:
0x88: {  	s2 =	sld [smem:$0x3FD9]  }
0x89: {  	s3 =	sld [smem:$0x3FFE];
	_ =	sdelay $0x1  }
0x8a: {  	s1 =	srdreg.scid  }
0x8b: {  	s0 =	sand.u32 $0x1, s1  }
0x8c: {  	s18 =	sshll.u32 s0, $0xA;
	s2 =	sadd.s32 s3, s2  }
0x8d: {  	s2 =	sadd.s32 s2, s18  }
0x8e: {  	[smem:$0x3FC6] =	sst s2  }
0x8f: {  	_ = 	snop  }
0x90: {  	s2 =	sld [smem:$0x3FC9]  }
0x91: {  	s19 =	sld [smem:$0x3FC8]  }
0x92: {  	s4 =	sld [smem:$0x3FD0];
	(tm) =	ssettm $0x1  }
0x93: {  	s5 =	sld [smem:$0x3FFB];
	_ =	sdelay $0x3  }
0x94: {  	_ =	strace s5  }
0x95: {  	s5 =	sld [smem:$0x3FFC];
	_ =	sdelay $0x3  }
0x96: {  	_ =	strace s5  }
0x97: {  	s5 =	sld [smem:$0x3FFD];
	_ =	sdelay $0x3  }
0x98: {  	_ =	strace s5  }
0x99: {  	_ =	strace $0x8FFFFFFF  }
0x9a: {  	s20 =	sld [smem:$0x3FDB];
	_ =	sdelay $0x1  }
0x9b: {  	s6 =	simm.s32 $_scs_section_size  }
0x9c: {  	s7 =	simm.s32 $_size__tile_overlayer_lowered;
	s8 =	simm.s32 $_tile_overlayer_lowered  }
0x9d: {  	s23 =	simm.s32 $0x1BFF;
	s22 =	sshll.u32 s8, $0x1;
	s5 =	sadd.s32 s6, s20  }
0x9e: {  	s9 =	simm.s32 $0x0;
	s21 =	sshll.u32 s7, $0x1;
	s7 =	sadd.s32 s22, s5  }
0x9f: {  	[timem:s9], [sflag:s23] =	dma.local [hbm:s7], s21  }
0xa0: {  	_ =	swait.ge [sflag:s23], s21  }
0xa1: {  	s6 =	ssub.s32 $0x0, s21;
	[sflag:s23] =	ssyncset.done $0x0  }
0xa2: {  	[sflag:s23] =	ssyncadd.s32 s6;
	_ =	sdelay $0x1  }
0xa3: {  	s24 =	simm.s32 $0x1B8B  }
0xa4: {  	_ =	swait.ge [sflag:s24], $0x1  }
0xa5: {  	[sflag:s24] =	ssyncset.done $0x0  }
0xa6: {  	s25 =	simm.s32 $0x1B8E;
	[sflag:s24] =	ssyncadd.s32 $0xFFFFFFFF  }
0xa7: {  	s26 =	simm.s32 $execute0_lowered;
	[smem:$0x3FD2] =	sst s25  }
0xa8: {  	s6 =	sshll.u32 s26, $0x1;
	_ =	strace $0x80000046;
	[dreg:$0x1] =	wrdreg $0xFFFFFFFF  }
0xa9: {  	s28 =	simm.s32 $_size_execute0_lowered;
	s5 =	sadd.s32 s5, s6;
	[dreg:$0x0] =	wrdreg $0x0  }
0xaa: {  	s6 =	sshll.u32 s28, $0x1;
	[dreg:$0x2] =	wrdreg s5  }
0xab: {  	[dreg:$0x3] =	wrdreg s6  }
0xac: {  	[dreg:$0x4] =	wrdreg $0xC0  }
0xad: {  	_ =	task [dreg:s9], $0x5FFFF  }
0xae: {  	[dreg:$0x1] =	wrdreg $0xFFFFFFFF  }
0xaf: {  	[dreg:$0x0] =	wrdreg $0x60  }
0xb0: {  	[dreg:$0x2] =	wrdreg s2  }
0xb1: {  	[dreg:$0x3] =	wrdreg s19  }
0xb2: {  	[dreg:$0x4] =	wrdreg s4  }
0xb3: {  	[dreg:$0x5] =	wrdreg $0x9  }
0xb4: {  	_ =	task.clear_ibuf [dreg:s9], $0x6FFFF;
	_ =	strace $0x90000046  }
0xb5: {  	s29 =	simm.s32 $0x9;
	_ =	strace $0x80000048  }
0xb6: {  	_ =	swait.ge [sflag:s29], $0x1  }
0xb7: {  	[sflag:s29] =	ssyncadd.s32 $0xFFFFFFFF  }
0xb8: {  	_ =	strace $0x90000048  }
0xb9: {  	_ =	sfence  }
0xba: {  	s30 =	sld [smem:$0x0];
	_ =	sdelay $0x2  }
0xbb: {  	s31 =	sshll.u32 s1, $0xD;
	s1 =	sshrl.u32 s1, $0x2  }
0xbc: {  	s3 =	sand.u32 $0x4000, s31;
	s1 =	sadd.s32 s1, s30  }
0xbd: {  	s0 =	sor.u32 s3, s0;
	s1 =	sshll.u32 s1, $0x11  }
0xbe: {  	s0 =	sor.u32 s1, s0  }
0xbf: {  	s0 =	sadd.s32 $0x8F2B, s0  }
0xc0: {  	[sflag:s0] =	ssyncadd.remote.s32 $0x1  }
0xc1: {  	_ =	sfence.sel $0xFFFF  }
0xc2: {  	[dreg:$0x0] =	wrdreg $0xFFFFFFFF;
	(pc) =	sbr.abs _section_cstart, $3  }
0xc3: {  	[dreg:$0x1] =	wrdreg $0xFFFFFFFF  }
0xc4: {  	_ =	task.clear_ibuf [dreg:s9], $0x2FFFF;
	_ =	strace $0x9FFFFFFF  }
0xc5: {  	(tm) =	ssettm $0x7FFFFFFF  }
tec
execute0_lowered:
.L_overlay_start_1:
0x0: {  	(tag) =	ssettag $0x1  }
0x1: {  	s1 =	srdreg.scid  }
0x2: {  	s0 =	stileid.u32;
	s14 =	sand.u32 $0x1, s1  }
0x3: {  	s16 =	sshll.u32 s0, $0x9;
	s2 =	sshll.u32 s14, $0x8  }
0x4: {  	s12 =	sor.u32 s2, s16  }
0x5: {  	s4 =	rddreg [dreg:$0x0];
	s5 =	smax.u32 s12, $0x8  }
0x6: {  	s13 =	rddreg [dreg:$0x2];
	s9 =	ssub.s32 s12, s5  }
0x7: {  	v15 =	vlaneseq.u32;
	s3 =	simm.s32 $0x0;
	s1 =	rddreg [dreg:$0x3];
	s6 =	sor.u32 $0x7, s9  }
0x8: {  	[smem:$0x7FF] =	sst s3;
	s5 =	sadd.s32 $0xFFFFFFF8, s5;
	v0 =	vadd.s32 s6, v15  }
0x9: {  	s2 =	rddreg [dreg:$0x1];
	s5 =	sshrl.u32 s5, $0x3;
	vm0 =	vgt.s32 v0, $0x0  }
0xa: {  	_ =	strace $0x80000047;
	s4 =	sadd.s32 s4, s5;
	s5 =	simm.s32 $0x4;
	v0 =	vnsel vm0, $0x0, v0  }
0xb: {  	[tilespmem:s3], [sflag:$0x4] =	stream.linear.gather [hbm4b:s4+s3], $0x108, $0x38;
	[tilespmem:$0x8280] =	vst v63  }
0xc: {  	_ =	swait.ge [sflag:s5], $0x108  }
0xd: {  	[sflag:s5] =	ssyncset.done $0x0  }
0xe: {  	s17 =	sadd.s32 $0x17, s9;
	[sflag:s5] =	ssyncadd.s32 $0xFFFFFEF8  }
0xf: {  	v1 =	vadd.s32 s17, v15;
	v2 =	vld.idx.msk [tilespmem:v0+s3+$0x0], $0xffff  }
0x10: {  	s18 =	sand.u32 $0x700, s12;
	vm0 =	vgt.s32 v1, $0x0  }
0x11: {  	vm1 =	vmxor vm1, vm1;
	p0 =	seq.s32 s18, $0x0;
	v1 =	vnsel vm0, $0x0, v1  }
0x12: {  	vm1 =	vmneg @p0 vm1;
	vm0 =	vmmov $0x1  }
0x13: {  	vm0 =	vmand vm1, vm0  }
0x14: {  	s19 =	sadd.s32 $0x27, s9;
	v2 =	vsel vm0, $0x0, v2  }
0x15: {  	v3 =	vadd.s32 s19, v15;
	[tilespmem:$0x180] =	vst v2  }
0x16: {  	vm1 =	vgt.s32 v3, $0x0;
	v4 =	vld.idx.msk [tilespmem:v1+s3+$0x0], $0xffff  }
0x17: {  	v2 =	vnsel vm1, $0x0, v3;
	_ =	sdelay $0x2  }
0x18: {  	s20 =	sadd.s32 $0x37, s9  }
0x19: {  	v3 =	vadd.s32 s20, v15;
	[tilespmem:$0x190] =	vst v4  }
0x1a: {  	vm1 =	vgt.s32 v3, $0x0;
	v4 =	vld.idx.msk [tilespmem:v2+s3+$0x0], $0xffff  }
0x1b: {  	v3 =	vnsel vm1, $0x0, v3;
	_ =	sdelay $0x2  }
0x1c: {  	s21 =	sadd.s32 $0x47, s9  }
0x1d: {  	v5 =	vadd.s32 s21, v15;
	[tilespmem:$0x1A0] =	vst v4  }
0x1e: {  	vm1 =	vgt.s32 v5, $0x0;
	v6 =	vld.idx.msk [tilespmem:v3+s3+$0x0], $0xffff  }
0x1f: {  	v4 =	vnsel vm1, $0x0, v5;
	_ =	sdelay $0x2  }
0x20: {  	s22 =	sadd.s32 $0x57, s9  }
0x21: {  	v5 =	vadd.s32 s22, v15;
	[tilespmem:$0x1B0] =	vst v6  }
0x22: {  	vm1 =	vgt.s32 v5, $0x0;
	v6 =	vld.idx.msk [tilespmem:v4+s3+$0x0], $0xffff  }
0x23: {  	v5 =	vnsel vm1, $0x0, v5;
	_ =	sdelay $0x2  }
0x24: {  	s23 =	sadd.s32 $0x67, s9  }
0x25: {  	v7 =	vadd.s32 s23, v15;
	[tilespmem:$0x1C0] =	vst v6  }
0x26: {  	vm1 =	vgt.s32 v7, $0x0;
	v8 =	vld.idx.msk [tilespmem:v5+s3+$0x0], $0xffff  }
0x27: {  	v6 =	vnsel vm1, $0x0, v7;
	_ =	sdelay $0x2  }
0x28: {  	s24 =	sadd.s32 $0x77, s9  }
0x29: {  	v7 =	vadd.s32 s24, v15;
	[tilespmem:$0x1D0] =	vst v8  }
0x2a: {  	vm1 =	vgt.s32 v7, $0x0;
	v8 =	vld.idx.msk [tilespmem:v6+s3+$0x0], $0xffff  }
0x2b: {  	v7 =	vnsel vm1, $0x0, v7;
	_ =	sdelay $0x3  }
0x2c: {  	s25 =	sadd.s32 $0x87, s9;
	[tilespmem:$0x1E0] =	vst v8  }
0x2d: {  	v8 =	vadd.s32 s25, v15;
	v9 =	vld.idx.msk [tilespmem:v7+s3+$0x0], $0xffff  }
0x2e: {  	vm1 =	vgt.s32 v8, $0x0  }
0x2f: {  	v8 =	vnsel vm1, $0x0, v8;
	_ =	sdelay $0x1  }
0x30: {  	s7 =	simm.s32 $0x180  }
0x31: {  	s8 =	simm.s32 $0x280;
	s10 =	sadd.s32 $0x97, s9;
	s6 =	simm.s32 $0x80;
	[tilespmem:$0x1F0] =	vst v9  }
0x32: {  	v9 =	vadd.s32 s10, v15;
	[tilespmem:s8], [sflag:$0x1] =	stream.indirect.gather [hbm4b:s2+s6], $0x80, s7, s6, $0xb8;
	[tilespmem:$0x8280] =	vst v63  }
0x33: {  	vm1 =	vgt.s32 v9, $0x0;
	v10 =	vld.idx.msk [tilespmem:v8+s3+$0x0], $0xffff  }
0x34: {  	v9 =	vnsel vm1, $0x0, v9;
	_ =	sdelay $0x2  }
0x35: {  	s26 =	sadd.s32 $0xA7, s9  }
0x36: {  	v11 =	vadd.s32 s26, v15;
	[tilespmem:$0x200] =	vst v10  }
0x37: {  	vm1 =	vgt.s32 v11, $0x0;
	v12 =	vld.idx.msk [tilespmem:v9+s3+$0x0], $0xffff  }
0x38: {  	v10 =	vnsel vm1, $0x0, v11;
	_ =	sdelay $0x2  }
0x39: {  	s28 =	sadd.s32 $0xB7, s9  }
0x3a: {  	v11 =	vadd.s32 s28, v15;
	[tilespmem:$0x210] =	vst v12  }
0x3b: {  	vm1 =	vgt.s32 v11, $0x0;
	v12 =	vld.idx.msk [tilespmem:v10+s3+$0x0], $0xffff  }
0x3c: {  	v11 =	vnsel vm1, $0x0, v11;
	_ =	sdelay $0x2  }
0x3d: {  	s29 =	sadd.s32 $0xC7, s9  }
0x3e: {  	v13 =	vadd.s32 s29, v15;
	[tilespmem:$0x220] =	vst v12  }
0x3f: {  	vm1 =	vgt.s32 v13, $0x0;
	v14 =	vld.idx.msk [tilespmem:v11+s3+$0x0], $0xffff  }
0x40: {  	v12 =	vnsel vm1, $0x0, v13;
	_ =	sdelay $0x2  }
0x41: {  	s30 =	sadd.s32 $0xD7, s9  }
0x42: {  	v13 =	vadd.s32 s30, v15;
	[tilespmem:$0x230] =	vst v14  }
0x43: {  	vm1 =	vgt.s32 v13, $0x0;
	v14 =	vld.idx.msk [tilespmem:v12+s3+$0x0], $0xffff  }
0x44: {  	v13 =	vnsel vm1, $0x0, v13;
	_ =	sdelay $0x2  }
0x45: {  	s31 =	sadd.s32 $0xE7, s9  }
0x46: {  	v16 =	vadd.s32 s31, v15;
	[tilespmem:$0x240] =	vst v14  }
0x47: {  	vm1 =	vgt.s32 v16, $0x0;
	v17 =	vld.idx.msk [tilespmem:v13+s3+$0x0], $0xffff  }
0x48: {  	v14 =	vnsel vm1, $0x0, v16;
	_ =	sdelay $0x2  }
0x49: {  	s9 =	sadd.s32 $0xF7, s9  }
0x4a: {  	v15 =	vadd.s32 s9, v15;
	[tilespmem:$0x250] =	vst v17  }
0x4b: {  	vm1 =	vgt.s32 v15, $0x0;
	v16 =	vld.idx.msk [tilespmem:v14+s3+$0x0], $0xffff  }
0x4c: {  	v15 =	vnsel vm1, $0x0, v15;
	_ =	sdelay $0x3  }
0x4d: {  	[tilespmem:$0x260] =	vst v16  }
0x4e: {  	v16 =	vld.idx.msk [tilespmem:v15+s3+$0x0], $0xffff;
	_ =	sdelay $0x4  }
0x4f: {  	s11 =	simm.s32 $0x1;
	s10 =	simm.s32 $0x4280;
	s9 =	simm.s32 $0x200;
	[tilespmem:$0x270] =	vst v16  }
0x50: {  	[tilespmem:s10], [sflag:$0x2] =	stream.indirect.gather [hbm4b:s2+s6], $0x80, s9, s6, $0xb8;
	[tilespmem:$0x8280] =	vst v63  }
0x51: {  	s12 =	sshll.u32 s12, $0x4;
	_ =	swait.ge [sflag:s11], $0x4000  }
0x52: {  	s16 =	ssub.s32 $0x2, s14;
	s12 =	sadd.s32 s13, s12;
	[sflag:s11] =	ssyncset.done $0x0  }
0x53: {  	s13 =	simm.s32 $0x2;
	s17 =	sshrl.u32 s16, $0x1;
	[sflag:s11] =	ssyncadd.s32 $0xFFFFC000  }
0x54: {  	[hbm4b:s12+s3] =	stream.linear.scatter [tilespmem:s8], [sflag:$0x3], $0x4000, $0x38;
	[tilespmem:$0x8280] =	vst v63  }
0x55: {  	s16 =	ssub.s32 s16, s17;
	_ =	swait.ge [sflag:s13], $0x4000  }
0x56: {  	s14 =	simm.s32 $0x3;
	s16 =	smax.u32 s16, $0x1;
	[sflag:s13] =	ssyncset.done $0x0  }
0x57: {  	s15 =	sadd.s32 $0x800, s12;
	p0 =	sne.s32 s16, $0x1;
	[sflag:s13] =	ssyncadd.s32 $0xFFFFC000  }
0x58: {  	[hbm4b:s15+s3] =	stream.linear.scatter [tilespmem:s10], [sflag:$0x3], $0x4000, $0x38;
	[tilespmem:$0x8280] =	vst v63  }
.Ltmp0:
0x59: {  	_ =	swait.ge [sflag:s14], $0x4000;
	(pc) =	sbr.rel @!p0 .LBB2_2-.Ltmp0, $4  }
0x5a: {  	[sflag:s14] =	ssyncset.done $0x0  }
0x5b: {  	[sflag:s14] =	ssyncadd.s32 $0xFFFFC000  }
0x5c: {  	_ =	swait.ge [sflag:s14], $0x4000  }
0x5d: {  	s16 =	sadd.s32 $0xFFFFFFFF, s16;
	[sflag:s14] =	ssyncset.done $0x0  }
.LBB2_1:
0x5e: {  	p0 =	sne.s32 s16, $0x1;
	s16 =	sadd.s32 $0xFFFFFFFF, s16;
	[sflag:s14] =	ssyncadd.s32 $0xFFFFC000  }
0x5f: {  	[tilespmem:s3], [sflag:$0x4] =	stream.linear.gather [hbm4b:s4+s3], $0x108, $0x38;
	[tilespmem:$0x8280] =	vst v63  }
0x60: {  	_ =	swait.ge [sflag:s5], $0x108  }
0x61: {  	[sflag:s5] =	ssyncset.done $0x0  }
0x62: {  	[sflag:s5] =	ssyncadd.s32 $0xFFFFFEF8  }
0x63: {  	v16 =	vld.idx.msk [tilespmem:v0+s3+$0x0], $0xffff;
	_ =	sdelay $0x5  }
0x64: {  	v16 =	vsel vm0, $0x0, v16  }
0x65: {  	[tilespmem:$0x180] =	vst v16  }
0x66: {  	v16 =	vld.idx.msk [tilespmem:v1+s3+$0x0], $0xffff;
	_ =	sdelay $0x5  }
0x67: {  	[tilespmem:$0x190] =	vst v16  }
0x68: {  	v16 =	vld.idx.msk [tilespmem:v2+s3+$0x0], $0xffff;
	_ =	sdelay $0x5  }
0x69: {  	[tilespmem:$0x1A0] =	vst v16  }
0x6a: {  	v16 =	vld.idx.msk [tilespmem:v3+s3+$0x0], $0xffff;
	_ =	sdelay $0x5  }
0x6b: {  	[tilespmem:$0x1B0] =	vst v16  }
0x6c: {  	v16 =	vld.idx.msk [tilespmem:v4+s3+$0x0], $0xffff;
	_ =	sdelay $0x5  }
0x6d: {  	[tilespmem:$0x1C0] =	vst v16  }
0x6e: {  	v16 =	vld.idx.msk [tilespmem:v5+s3+$0x0], $0xffff;
	_ =	sdelay $0x5  }
0x6f: {  	[tilespmem:$0x1D0] =	vst v16  }
0x70: {  	v16 =	vld.idx.msk [tilespmem:v6+s3+$0x0], $0xffff;
	_ =	sdelay $0x5  }
0x71: {  	[tilespmem:$0x1E0] =	vst v16  }
0x72: {  	v16 =	vld.idx.msk [tilespmem:v7+s3+$0x0], $0xffff;
	_ =	sdelay $0x5  }
0x73: {  	[tilespmem:$0x1F0] =	vst v16  }
0x74: {  	[tilespmem:s8], [sflag:$0x1] =	stream.indirect.gather [hbm4b:s2+s6], $0x80, s7, s6, $0xb8;
	[tilespmem:$0x8280] =	vst v63  }
0x75: {  	v16 =	vld.idx.msk [tilespmem:v8+s3+$0x0], $0xffff;
	_ =	sdelay $0x5  }
0x76: {  	[tilespmem:$0x200] =	vst v16  }
0x77: {  	v16 =	vld.idx.msk [tilespmem:v9+s3+$0x0], $0xffff;
	_ =	sdelay $0x5  }
0x78: {  	[tilespmem:$0x210] =	vst v16  }
0x79: {  	v16 =	vld.idx.msk [tilespmem:v10+s3+$0x0], $0xffff;
	_ =	sdelay $0x5  }
0x7a: {  	[tilespmem:$0x220] =	vst v16  }
0x7b: {  	v16 =	vld.idx.msk [tilespmem:v11+s3+$0x0], $0xffff;
	_ =	sdelay $0x5  }
0x7c: {  	[tilespmem:$0x230] =	vst v16  }
0x7d: {  	v16 =	vld.idx.msk [tilespmem:v12+s3+$0x0], $0xffff;
	_ =	sdelay $0x5  }
0x7e: {  	[tilespmem:$0x240] =	vst v16  }
0x7f: {  	v16 =	vld.idx.msk [tilespmem:v13+s3+$0x0], $0xffff;
	_ =	sdelay $0x5  }
0x80: {  	[tilespmem:$0x250] =	vst v16  }
0x81: {  	v16 =	vld.idx.msk [tilespmem:v14+s3+$0x0], $0xffff;
	_ =	sdelay $0x5  }
0x82: {  	[tilespmem:$0x260] =	vst v16  }
0x83: {  	v16 =	vld.idx.msk [tilespmem:v15+s3+$0x0], $0xffff;
	_ =	sdelay $0x5  }
0x84: {  	[tilespmem:$0x270] =	vst v16  }
0x85: {  	[tilespmem:s10], [sflag:$0x2] =	stream.indirect.gather [hbm4b:s2+s6], $0x80, s9, s6, $0xb8;
	[tilespmem:$0x8280] =	vst v63  }
0x86: {  	_ =	swait.ge [sflag:s11], $0x4000  }
0x87: {  	[sflag:s11] =	ssyncset.done $0x0  }
0x88: {  	[sflag:s11] =	ssyncadd.s32 $0xFFFFC000  }
0x89: {  	[hbm4b:s12+s3] =	stream.linear.scatter [tilespmem:s8], [sflag:$0x3], $0x4000, $0x38;
	[tilespmem:$0x8280] =	vst v63  }
0x8a: {  	_ =	swait.ge [sflag:s13], $0x4000  }
0x8b: {  	[sflag:s13] =	ssyncset.done $0x0  }
0x8c: {  	[sflag:s13] =	ssyncadd.s32 $0xFFFFC000  }
0x8d: {  	[hbm4b:s15+s3] =	stream.linear.scatter [tilespmem:s10], [sflag:$0x3], $0x4000, $0x38;
	[tilespmem:$0x8280] =	vst v63  }
.Ltmp1:
0x8e: {  	_ =	swait.ge [sflag:s14], $0x4000;
	(pc) =	sbr.rel @p0 .LBB2_1-.Ltmp1, $4  }
0x8f: {  	[sflag:s14] =	ssyncset.done $0x0  }
0x90: {  	[sflag:s14] =	ssyncadd.s32 $0xFFFFC000  }
0x91: {  	_ =	swait.ge [sflag:s14], $0x4000  }
0x92: {  	[sflag:s14] =	ssyncset.done $0x0  }
.LBB2_2:
0x93: {  	[sflag:s14] =	ssyncadd.s32 $0xFFFFC000  }
0x94: {  	_ =	sfence.sel $0x180000  }
0x95: {  	[bflag:$0x0] =	sbarrier.arrive $0xFFFF  }
0x96: {  	p0 =	sne.s32 s0, $0x0;
	_ =	strace $0x90000047  }
0x97: {  	s0 =	sadd.s32 @!p0 $0x100000, s1;
	[bflag:$0x2] =	sbarrier.arrive $0xFFFF  }
0x98: {  	[sflag:s0] =	ssyncadd.tile.s32 @!p0 $0x1;
	_ =	shalt  }
.Lfunc_end2:
_tile_overlayer_lowered:
.L_overlay_start_2:
0x99: {  	(tag) =	ssettag $0x2  }
0x9a: {  	s0 =	rddreg [dreg:$0x0];
	s2 =	stileid.u32  }
0x9b: {  	s1 =	rddreg [dreg:$0x1];
	p0 =	sne.s32 s2, $0x0  }
0x9c: {  	s3 =	rddreg [dreg:$0x2];
	[bflag:$0x3] =	sbarrier.arrive $0xFFFF;
	s2 =	simm.s32 @!p0 $0x1C04  }
0x9d: {  	[timem:s3], [sflag:s2] =	dma.local @!p0 [hbm:s0], s1  }
0x9e: {  	s0 =	simm.s32 @!p0 $0x4  }
0x9f: {  	_ =	swait.ge @!p0 [sflag:s0], s1  }
0xa0: {  	s1 =	ssub.s32 @!p0 $0x0, s1;
	[sflag:s0] =	ssyncset.done @!p0 $0x0  }
0xa1: {  	[sflag:s0] =	ssyncadd.s32 @!p0 s1  }
0xa2: {  	[bflag:$0x3] =	sbarrier.arrive $0xFFFF  }
0xa3: {  	_ =	shalt  }

</sc_bundles>
